<compile_context>
chip_gen: v7x
topology: tpu7x:2x2x1
jax: 0.10.2.dev20260603
libtpu: 0.0.44.dev20260713+nightly
codegen_flags: <defaults>
</compile_context>

<pallas_src>
import functools

import jax
import jax.numpy as jnp
from jax import lax
from jax.experimental import pallas as pl
from jax.experimental.pallas import tpu as pltpu
from jax.experimental.pallas import tpu_sc as plsc

_NEG_INF = float("-inf")
_NC, _NS, _L = 2, 16, 16
_NW = _NC * _NS


def _tc_gate_body(x_ref, wt_ref, b_ref, gt_ref):
    g = jnp.dot(x_ref[...], wt_ref[...], preferred_element_type=jnp.float32)
    gt_ref[...] = g.T + b_ref[...]


def _tc_gate(inp, wt, b2):
    m, dm = inp.shape
    e = wt.shape[1]
    bm = 4096
    return pl.pallas_call(
        _tc_gate_body,
        grid=(m // bm,),
        in_specs=[
            pl.BlockSpec((bm, dm), lambda i: (i, 0)),
            pl.BlockSpec((dm, e), lambda i: (0, 0)),
            pl.BlockSpec((e, 1), lambda i: (0, 0)),
        ],
        out_specs=pl.BlockSpec((e, bm), lambda i: (0, i)),
        out_shape=jax.ShapeDtypeStruct((e, m), jnp.float32),
    )(inp, wt, b2)


def _sc_top2(gt):
    ne, m = gt.shape
    per = m // _NW
    mesh = plsc.VectorSubcoreMesh(
        core_axis_name="c", subcore_axis_name="s",
        num_cores=_NC, num_subcores=_NS)

    @functools.partial(
        pl.kernel, mesh=mesh,
        out_type=[jax.ShapeDtypeStruct((2, m), jnp.int32),
                  jax.ShapeDtypeStruct((2, m), jnp.float32)],
        scratch_types=[pltpu.VMEM((ne, per), jnp.float32),
                       pltpu.VMEM((2, per), jnp.int32),
                       pltpu.VMEM((2, per), jnp.float32)],
    )
    def k(gt_hbm, idx_hbm, score_hbm, g_v, idx_v, score_v):
        wid = lax.axis_index("s") * _NC + lax.axis_index("c")
        base = wid * per
        pltpu.sync_copy(gt_hbm.at[:, pl.ds(base, per)], g_v)

        def body(i, carry):
            off = i * _L
            m1 = g_v[0, pl.ds(off, _L)]
            i1 = jnp.zeros((_L,), jnp.int32)
            m2 = jnp.full((_L,), _NEG_INF, jnp.float32)
            i2 = jnp.zeros((_L,), jnp.int32)
            for e in range(1, ne):
                ge = g_v[e, pl.ds(off, _L)]
                ec = jnp.full((_L,), e, jnp.int32)
                new1 = ge > m1
                new2 = ge > m2
                i2 = jnp.where(new1, i1, jnp.where(new2, ec, i2))
                m2 = jnp.where(new1, m1, jnp.where(new2, ge, m2))
                i1 = jnp.where(new1, ec, i1)
                m1 = jnp.where(new1, ge, m1)
            e2 = jnp.exp(m2 - m1)
            s1 = 1.0 / (1.0 + e2)
            idx_v[0, pl.ds(off, _L)] = i1
            idx_v[1, pl.ds(off, _L)] = i2
            score_v[0, pl.ds(off, _L)] = s1
            score_v[1, pl.ds(off, _L)] = e2 * s1
            return carry

        lax.fori_loop(0, per // _L, body, 0)
        pltpu.sync_copy(idx_v, idx_hbm.at[:, pl.ds(base, per)])
        pltpu.sync_copy(score_v, score_hbm.at[:, pl.ds(base, per)])

    return k(gt)


def kernel(inp, W, b):
    e = W.shape[0]
    gt = _tc_gate(inp, W.T, b.reshape(e, 1))
    idx_t, score_t = _sc_top2(gt)
    return idx_t.T, score_t.T

# --- scband reference (transcript-rebuilt; emitter-appended) ---
"""Pipeline reference for scband-naive-gate-67130338836508 (READ-ONLY COPY).

The authoritative reference and input builder live on the scoring server;
editing this copy changes nothing except your own understanding.
"""

import jax, jax.numpy as jnp
import numpy as np

TOP_K = 2

def setup_inputs(seed: int = 0) -> dict:
    key = jax.random.key(seed)
    k1, k2 = jax.random.split(key)
    inp = jax.random.normal(k1, (32768, 768), dtype=jnp.float32)
    # nn.Linear(d_model=768, num_adapter=8): weight [8, 768], bias [8]
    W = jax.random.normal(k2, (8, 768), dtype=jnp.float32) * 0.02
    b = jnp.zeros((8,), dtype=jnp.float32)
    return {"inp": inp, "W": W, "b": b}

def reference(inp, W, b):
    # gate = self.gate(inp)
    gate = inp @ W.T + b
    # top-k over experts (torch uses sorted=False; value set identical)
    gate_top_k_val, gate_top_k_idx = jax.lax.top_k(gate, TOP_K)
    gate_top_k_val = gate_top_k_val.reshape(-1, TOP_K)
    gate_score = jax.nn.softmax(gate_top_k_val, axis=-1)
    return (gate_top_k_idx, gate_score)

if __name__ == "__main__":
    import jax
    _d = setup_inputs()
    print(jax.jit(kernel)(*tuple(_d.values())))

</pallas_src>

<mosaic_0001>
#map = affine_map<(d0, d1) -> (0, 0)>
module attributes {stable_mosaic.version = 14 : i64} {
  func.func @k(%arg0: i32, %arg1: i32, %arg2: memref<8x32768xf32, #tpu.memory_space<hbm>>, %arg3: memref<2x32768xi32, #tpu.memory_space<hbm>>, %arg4: memref<2x32768xf32, #tpu.memory_space<hbm>>, %arg5: memref<8x1024xf32, #tpu.memory_space<vmem>>, %arg6: memref<2x1024xi32, #tpu.memory_space<vmem>>, %arg7: memref<2x1024xf32, #tpu.memory_space<vmem>>) attributes {dimension_semantics = [#tpu.dimension_semantics<core_parallel>, #tpu.dimension_semantics<subcore_parallel>], iteration_bounds = array<i64: 2, 16>, scalar_prefetch = 0 : i64, scratch_operands = 3 : i64, tpu.core_type = #tpu.core_type<sc_vector_subcore>, window_params = [{transform_indices = #map}, {transform_indices = #map}, {transform_indices = #map}]} {
    %mul3A = arith.constant 2 : i32
    %mul3A_0 = arith.muli %arg1, %mul3A : i32
    %add3A = arith.addi %mul3A_0, %arg0 : i32
    %mul3A_1 = arith.constant 1024 : i32
    %mul3A_2 = arith.muli %add3A, %mul3A_1 : i32
    "tpu.region"() ({
      %run_scoped3A = tpu.sem_alloc : memref<!tpu.dma_semaphore, #tpu.memory_space<semaphore_mem>>
      %dma_start3A = arith.constant 0 : i32
      %dma_start3A_8 = tpu.memref_slice %arg2[%dma_start3A, %mul3A_2] : memref<8x32768xf32, #tpu.memory_space<hbm>> -> memref<8x1024xf32, #tpu.memory_space<hbm>>
      %dma_start3A_9 = arith.constant 0 : i32
      %dma_start3A_10 = tpu.memref_slice %arg2[%dma_start3A_9, %mul3A_2] : memref<8x32768xf32, #tpu.memory_space<hbm>> -> memref<8x1024xf32, #tpu.memory_space<hbm>>
      tpu.enqueue_dma source(%dma_start3A_10 : memref<8x1024xf32, #tpu.memory_space<hbm>>) target(%arg5 : memref<8x1024xf32, #tpu.memory_space<vmem>>) target_semaphore(%run_scoped3A : memref<!tpu.dma_semaphore, #tpu.memory_space<semaphore_mem>>)
      %dma_wait3A = arith.constant 0 : i32
      %dma_wait3A_11 = tpu.memref_slice %arg2[%dma_wait3A, %mul3A_2] : memref<8x32768xf32, #tpu.memory_space<hbm>> -> memref<8x1024xf32, #tpu.memory_space<hbm>>
      %dma_wait3A_12 = arith.constant 0 : i32
      %dma_wait3A_13 = tpu.memref_slice %arg2[%dma_wait3A_12, %mul3A_2] : memref<8x32768xf32, #tpu.memory_space<hbm>> -> memref<8x1024xf32, #tpu.memory_space<hbm>>
      tpu.wait_dma2 semaphore(%run_scoped3A : memref<!tpu.dma_semaphore, #tpu.memory_space<semaphore_mem>>) src(%dma_wait3A_13 : memref<8x1024xf32, #tpu.memory_space<hbm>>) dst(%arg5 : memref<8x1024xf32, #tpu.memory_space<vmem>>)
      tpu.yield
    }) : () -> ()
    %scan3A = arith.constant 0 : i32
    %scan3A_3 = arith.constant 0 : i32
    %scan3A_4 = arith.constant 64 : i32
    %scan3A_5 = arith.addi %scan3A_3, %scan3A_4 : i32
    %scan3A_6 = arith.constant 1 : i32
    scf.for %scan3A_8 = %scan3A_3 to %scan3A_5 step %scan3A_6  : i32 {
      %mul3A_9 = arith.constant 16 : i32
      %mul3A_10 = arith.muli %scan3A_8, %mul3A_9 : i32
      %get3A = arith.constant 0 : i32
      %get3A_11 = arith.index_cast %get3A : i32 to index
      %get3A_12 = arith.index_cast %mul3A_10 : i32 to index
      %get3A_13 = tpu.vector_load %arg5[%get3A_11, %get3A_12] {strides = array<i32>} : memref<8x1024xf32, #tpu.memory_space<vmem>>, vector<1x16xf32>,
      %get3A_14 = vector.shape_cast %get3A_13 : vector<1x16xf32> to vector<16xf32>
      %broadcast_in_dim3A = arith.constant 0 : i32
      %broadcast_in_dim3A_15 = vector.broadcast %broadcast_in_dim3A : i32 to vector<16xi32>
      %broadcast_in_dim3A_16 = arith.constant 0xFF800000 : f32
      %broadcast_in_dim3A_17 = vector.broadcast %broadcast_in_dim3A_16 : f32 to vector<16xf32>
      %broadcast_in_dim3A_18 = arith.constant 0 : i32
      %broadcast_in_dim3A_19 = vector.broadcast %broadcast_in_dim3A_18 : i32 to vector<16xi32>
      %get3A_20 = arith.constant 1 : i32
      %get3A_21 = arith.index_cast %get3A_20 : i32 to index
      %get3A_22 = arith.index_cast %mul3A_10 : i32 to index
      %get3A_23 = tpu.vector_load %arg5[%get3A_21, %get3A_22] {strides = array<i32>} : memref<8x1024xf32, #tpu.memory_space<vmem>>, vector<1x16xf32>,
      %get3A_24 = vector.shape_cast %get3A_23 : vector<1x16xf32> to vector<16xf32>
      %broadcast_in_dim3A_25 = arith.constant 1 : i32
      %broadcast_in_dim3A_26 = vector.broadcast %broadcast_in_dim3A_25 : i32 to vector<16xi32>
      %gt3A = arith.cmpf ogt, %get3A_24, %get3A_14 : vector<16xf32>
      %gt3A_27 = arith.cmpf ogt, %get3A_24, %broadcast_in_dim3A_17 : vector<16xf32>
      %select_n3A = arith.select %gt3A_27, %broadcast_in_dim3A_26, %broadcast_in_dim3A_19 : vector<16xi1>, vector<16xi32>
      %select_n3A_28 = arith.select %gt3A, %broadcast_in_dim3A_15, %select_n3A : vector<16xi1>, vector<16xi32>
      %select_n3A_29 = arith.select %gt3A_27, %get3A_24, %broadcast_in_dim3A_17 : vector<16xi1>, vector<16xf32>
      %select_n3A_30 = arith.select %gt3A, %get3A_14, %select_n3A_29 : vector<16xi1>, vector<16xf32>
      %select_n3A_31 = arith.select %gt3A, %broadcast_in_dim3A_26, %broadcast_in_dim3A_15 : vector<16xi1>, vector<16xi32>
      %select_n3A_32 = arith.select %gt3A, %get3A_24, %get3A_14 : vector<16xi1>, vector<16xf32>
      %get3A_33 = arith.constant 2 : i32
      %get3A_34 = arith.index_cast %get3A_33 : i32 to index
      %get3A_35 = arith.index_cast %mul3A_10 : i32 to index
      %get3A_36 = tpu.vector_load %arg5[%get3A_34, %get3A_35] {strides = array<i32>} : memref<8x1024xf32, #tpu.memory_space<vmem>>, vector<1x16xf32>,
      %get3A_37 = vector.shape_cast %get3A_36 : vector<1x16xf32> to vector<16xf32>
      %broadcast_in_dim3A_38 = arith.constant 2 : i32
      %broadcast_in_dim3A_39 = vector.broadcast %broadcast_in_dim3A_38 : i32 to vector<16xi32>
      %gt3A_40 = arith.cmpf ogt, %get3A_37, %select_n3A_32 : vector<16xf32>
      %gt3A_41 = arith.cmpf ogt, %get3A_37, %select_n3A_30 : vector<16xf32>
      %select_n3A_42 = arith.select %gt3A_41, %broadcast_in_dim3A_39, %select_n3A_28 : vector<16xi1>, vector<16xi32>
      %select_n3A_43 = arith.select %gt3A_40, %select_n3A_31, %select_n3A_42 : vector<16xi1>, vector<16xi32>
      %select_n3A_44 = arith.select %gt3A_41, %get3A_37, %select_n3A_30 : vector<16xi1>, vector<16xf32>
      %select_n3A_45 = arith.select %gt3A_40, %select_n3A_32, %select_n3A_44 : vector<16xi1>, vector<16xf32>
      %select_n3A_46 = arith.select %gt3A_40, %broadcast_in_dim3A_39, %select_n3A_31 : vector<16xi1>, vector<16xi32>
      %select_n3A_47 = arith.select %gt3A_40, %get3A_37, %select_n3A_32 : vector<16xi1>, vector<16xf32>
      %get3A_48 = arith.constant 3 : i32
      %get3A_49 = arith.index_cast %get3A_48 : i32 to index
      %get3A_50 = arith.index_cast %mul3A_10 : i32 to index
      %get3A_51 = tpu.vector_load %arg5[%get3A_49, %get3A_50] {strides = array<i32>} : memref<8x1024xf32, #tpu.memory_space<vmem>>, vector<1x16xf32>,
      %get3A_52 = vector.shape_cast %get3A_51 : vector<1x16xf32> to vector<16xf32>
      %broadcast_in_dim3A_53 = arith.constant 3 : i32
      %broadcast_in_dim3A_54 = vector.broadcast %broadcast_in_dim3A_53 : i32 to vector<16xi32>
      %gt3A_55 = arith.cmpf ogt, %get3A_52, %select_n3A_47 : vector<16xf32>
      %gt3A_56 = arith.cmpf ogt, %get3A_52, %select_n3A_45 : vector<16xf32>
      %select_n3A_57 = arith.select %gt3A_56, %broadcast_in_dim3A_54, %select_n3A_43 : vector<16xi1>, vector<16xi32>
      %select_n3A_58 = arith.select %gt3A_55, %select_n3A_46, %select_n3A_57 : vector<16xi1>, vector<16xi32>
      %select_n3A_59 = arith.select %gt3A_56, %get3A_52, %select_n3A_45 : vector<16xi1>, vector<16xf32>
      %select_n3A_60 = arith.select %gt3A_55, %select_n3A_47, %select_n3A_59 : vector<16xi1>, vector<16xf32>
      %select_n3A_61 = arith.select %gt3A_55, %broadcast_in_dim3A_54, %select_n3A_46 : vector<16xi1>, vector<16xi32>
      %select_n3A_62 = arith.select %gt3A_55, %get3A_52, %select_n3A_47 : vector<16xi1>, vector<16xf32>
      %get3A_63 = arith.constant 4 : i32
      %get3A_64 = arith.index_cast %get3A_63 : i32 to index
      %get3A_65 = arith.index_cast %mul3A_10 : i32 to index
      %get3A_66 = tpu.vector_load %arg5[%get3A_64, %get3A_65] {strides = array<i32>} : memref<8x1024xf32, #tpu.memory_space<vmem>>, vector<1x16xf32>,
      %get3A_67 = vector.shape_cast %get3A_66 : vector<1x16xf32> to vector<16xf32>
      %broadcast_in_dim3A_68 = arith.constant 4 : i32
      %broadcast_in_dim3A_69 = vector.broadcast %broadcast_in_dim3A_68 : i32 to vector<16xi32>
      %gt3A_70 = arith.cmpf ogt, %get3A_67, %select_n3A_62 : vector<16xf32>
      %gt3A_71 = arith.cmpf ogt, %get3A_67, %select_n3A_60 : vector<16xf32>
      %select_n3A_72 = arith.select %gt3A_71, %broadcast_in_dim3A_69, %select_n3A_58 : vector<16xi1>, vector<16xi32>
      %select_n3A_73 = arith.select %gt3A_70, %select_n3A_61, %select_n3A_72 : vector<16xi1>, vector<16xi32>
      %select_n3A_74 = arith.select %gt3A_71, %get3A_67, %select_n3A_60 : vector<16xi1>, vector<16xf32>
      %select_n3A_75 = arith.select %gt3A_70, %select_n3A_62, %select_n3A_74 : vector<16xi1>, vector<16xf32>
      %select_n3A_76 = arith.select %gt3A_70, %broadcast_in_dim3A_69, %select_n3A_61 : vector<16xi1>, vector<16xi32>
      %select_n3A_77 = arith.select %gt3A_70, %get3A_67, %select_n3A_62 : vector<16xi1>, vector<16xf32>
      %get3A_78 = arith.constant 5 : i32
      %get3A_79 = arith.index_cast %get3A_78 : i32 to index
      %get3A_80 = arith.index_cast %mul3A_10 : i32 to index
      %get3A_81 = tpu.vector_load %arg5[%get3A_79, %get3A_80] {strides = array<i32>} : memref<8x1024xf32, #tpu.memory_space<vmem>>, vector<1x16xf32>,
      %get3A_82 = vector.shape_cast %get3A_81 : vector<1x16xf32> to vector<16xf32>
      %broadcast_in_dim3A_83 = arith.constant 5 : i32
      %broadcast_in_dim3A_84 = vector.broadcast %broadcast_in_dim3A_83 : i32 to vector<16xi32>
      %gt3A_85 = arith.cmpf ogt, %get3A_82, %select_n3A_77 : vector<16xf32>
      %gt3A_86 = arith.cmpf ogt, %get3A_82, %select_n3A_75 : vector<16xf32>
      %select_n3A_87 = arith.select %gt3A_86, %broadcast_in_dim3A_84, %select_n3A_73 : vector<16xi1>, vector<16xi32>
      %select_n3A_88 = arith.select %gt3A_85, %select_n3A_76, %select_n3A_87 : vector<16xi1>, vector<16xi32>
      %select_n3A_89 = arith.select %gt3A_86, %get3A_82, %select_n3A_75 : vector<16xi1>, vector<16xf32>
      %select_n3A_90 = arith.select %gt3A_85, %select_n3A_77, %select_n3A_89 : vector<16xi1>, vector<16xf32>
      %select_n3A_91 = arith.select %gt3A_85, %broadcast_in_dim3A_84, %select_n3A_76 : vector<16xi1>, vector<16xi32>
      %select_n3A_92 = arith.select %gt3A_85, %get3A_82, %select_n3A_77 : vector<16xi1>, vector<16xf32>
      %get3A_93 = arith.constant 6 : i32
      %get3A_94 = arith.index_cast %get3A_93 : i32 to index
      %get3A_95 = arith.index_cast %mul3A_10 : i32 to index
      %get3A_96 = tpu.vector_load %arg5[%get3A_94, %get3A_95] {strides = array<i32>} : memref<8x1024xf32, #tpu.memory_space<vmem>>, vector<1x16xf32>,
      %get3A_97 = vector.shape_cast %get3A_96 : vector<1x16xf32> to vector<16xf32>
      %broadcast_in_dim3A_98 = arith.constant 6 : i32
      %broadcast_in_dim3A_99 = vector.broadcast %broadcast_in_dim3A_98 : i32 to vector<16xi32>
      %gt3A_100 = arith.cmpf ogt, %get3A_97, %select_n3A_92 : vector<16xf32>
      %gt3A_101 = arith.cmpf ogt, %get3A_97, %select_n3A_90 : vector<16xf32>
      %select_n3A_102 = arith.select %gt3A_101, %broadcast_in_dim3A_99, %select_n3A_88 : vector<16xi1>, vector<16xi32>
      %select_n3A_103 = arith.select %gt3A_100, %select_n3A_91, %select_n3A_102 : vector<16xi1>, vector<16xi32>
      %select_n3A_104 = arith.select %gt3A_101, %get3A_97, %select_n3A_90 : vector<16xi1>, vector<16xf32>
      %select_n3A_105 = arith.select %gt3A_100, %select_n3A_92, %select_n3A_104 : vector<16xi1>, vector<16xf32>
      %select_n3A_106 = arith.select %gt3A_100, %broadcast_in_dim3A_99, %select_n3A_91 : vector<16xi1>, vector<16xi32>
      %select_n3A_107 = arith.select %gt3A_100, %get3A_97, %select_n3A_92 : vector<16xi1>, vector<16xf32>
      %get3A_108 = arith.constant 7 : i32
      %get3A_109 = arith.index_cast %get3A_108 : i32 to index
      %get3A_110 = arith.index_cast %mul3A_10 : i32 to index
      %get3A_111 = tpu.vector_load %arg5[%get3A_109, %get3A_110] {strides = array<i32>} : memref<8x1024xf32, #tpu.memory_space<vmem>>, vector<1x16xf32>,
      %get3A_112 = vector.shape_cast %get3A_111 : vector<1x16xf32> to vector<16xf32>
      %broadcast_in_dim3A_113 = arith.constant 7 : i32
      %broadcast_in_dim3A_114 = vector.broadcast %broadcast_in_dim3A_113 : i32 to vector<16xi32>
      %gt3A_115 = arith.cmpf ogt, %get3A_112, %select_n3A_107 : vector<16xf32>
      %gt3A_116 = arith.cmpf ogt, %get3A_112, %select_n3A_105 : vector<16xf32>
      %select_n3A_117 = arith.select %gt3A_116, %broadcast_in_dim3A_114, %select_n3A_103 : vector<16xi1>, vector<16xi32>
      %select_n3A_118 = arith.select %gt3A_115, %select_n3A_106, %select_n3A_117 : vector<16xi1>, vector<16xi32>
      %select_n3A_119 = arith.select %gt3A_116, %get3A_112, %select_n3A_105 : vector<16xi1>, vector<16xf32>
      %select_n3A_120 = arith.select %gt3A_115, %select_n3A_107, %select_n3A_119 : vector<16xi1>, vector<16xf32>
      %select_n3A_121 = arith.select %gt3A_115, %broadcast_in_dim3A_114, %select_n3A_106 : vector<16xi1>, vector<16xi32>
      %select_n3A_122 = arith.select %gt3A_115, %get3A_112, %select_n3A_107 : vector<16xi1>, vector<16xf32>
      %sub3A = arith.subf %select_n3A_120, %select_n3A_122 : vector<16xf32>
      %exp3A = math.exp %sub3A : vector<16xf32>
      %add3A_123 = arith.constant 1.000000e+00 : f32
      %add3A_124 = vector.broadcast %add3A_123 : f32 to vector<16xf32>
      %add3A_125 = arith.addf %add3A_124, %exp3A : vector<16xf32>
      %div3A = arith.constant 1.000000e+00 : f32
      %div3A_126 = vector.broadcast %div3A : f32 to vector<16xf32>
      %div3A_127 = arith.divf %div3A_126, %add3A_125 : vector<16xf32>
      %swap3A = arith.constant 0 : i32
      %swap3A_128 = arith.index_cast %swap3A : i32 to index
      %swap3A_129 = arith.index_cast %mul3A_10 : i32 to index
      %swap3A_130 = tpu.vector_load %arg6[%swap3A_128, %swap3A_129] {strides = array<i32>} : memref<2x1024xi32, #tpu.memory_space<vmem>>, vector<1x16xi32>,
      %swap3A_131 = vector.shape_cast %swap3A_130 : vector<1x16xi32> to vector<16xi32>
      %swap3A_132 = vector.shape_cast %select_n3A_121 : vector<16xi32> to vector<1x16xi32>
      tpu.vector_store %arg6[%swap3A_128, %swap3A_129], %swap3A_132 {strides = array<i32>} : memref<2x1024xi32, #tpu.memory_space<vmem>>, vector<1x16xi32>,
      %swap3A_133 = arith.constant 1 : i32
      %swap3A_134 = arith.index_cast %swap3A_133 : i32 to index
      %swap3A_135 = arith.index_cast %mul3A_10 : i32 to index
      %swap3A_136 = tpu.vector_load %arg6[%swap3A_134, %swap3A_135] {strides = array<i32>} : memref<2x1024xi32, #tpu.memory_space<vmem>>, vector<1x16xi32>,
      %swap3A_137 = vector.shape_cast %swap3A_136 : vector<1x16xi32> to vector<16xi32>
      %swap3A_138 = vector.shape_cast %select_n3A_118 : vector<16xi32> to vector<1x16xi32>
      tpu.vector_store %arg6[%swap3A_134, %swap3A_135], %swap3A_138 {strides = array<i32>} : memref<2x1024xi32, #tpu.memory_space<vmem>>, vector<1x16xi32>,
      %swap3A_139 = arith.constant 0 : i32
      %swap3A_140 = arith.index_cast %swap3A_139 : i32 to index
      %swap3A_141 = arith.index_cast %mul3A_10 : i32 to index
      %swap3A_142 = tpu.vector_load %arg7[%swap3A_140, %swap3A_141] {strides = array<i32>} : memref<2x1024xf32, #tpu.memory_space<vmem>>, vector<1x16xf32>,
      %swap3A_143 = vector.shape_cast %swap3A_142 : vector<1x16xf32> to vector<16xf32>
      %swap3A_144 = vector.shape_cast %div3A_127 : vector<16xf32> to vector<1x16xf32>
      tpu.vector_store %arg7[%swap3A_140, %swap3A_141], %swap3A_144 {strides = array<i32>} : memref<2x1024xf32, #tpu.memory_space<vmem>>, vector<1x16xf32>,
      %mul3A_145 = arith.mulf %exp3A, %div3A_127 : vector<16xf32>
      %swap3A_146 = arith.constant 1 : i32
      %swap3A_147 = arith.index_cast %swap3A_146 : i32 to index
      %swap3A_148 = arith.index_cast %mul3A_10 : i32 to index
      %swap3A_149 = tpu.vector_load %arg7[%swap3A_147, %swap3A_148] {strides = array<i32>} : memref<2x1024xf32, #tpu.memory_space<vmem>>, vector<1x16xf32>,
      %swap3A_150 = vector.shape_cast %swap3A_149 : vector<1x16xf32> to vector<16xf32>
      %swap3A_151 = vector.shape_cast %mul3A_145 : vector<16xf32> to vector<1x16xf32>
      tpu.vector_store %arg7[%swap3A_147, %swap3A_148], %swap3A_151 {strides = array<i32>} : memref<2x1024xf32, #tpu.memory_space<vmem>>, vector<1x16xf32>,
    }
    %scan3A_7 = arith.constant 64 : i32
    "tpu.region"() ({
      %run_scoped3A = tpu.sem_alloc : memref<!tpu.dma_semaphore, #tpu.memory_space<semaphore_mem>>
      %dma_start3A = arith.constant 0 : i32
      %dma_start3A_8 = tpu.memref_slice %arg3[%dma_start3A, %mul3A_2] : memref<2x32768xi32, #tpu.memory_space<hbm>> -> memref<2x1024xi32, #tpu.memory_space<hbm>>
      %dma_start3A_9 = arith.constant 0 : i32
      %dma_start3A_10 = tpu.memref_slice %arg3[%dma_start3A_9, %mul3A_2] : memref<2x32768xi32, #tpu.memory_space<hbm>> -> memref<2x1024xi32, #tpu.memory_space<hbm>>
      tpu.enqueue_dma source(%arg6 : memref<2x1024xi32, #tpu.memory_space<vmem>>) target(%dma_start3A_10 : memref<2x1024xi32, #tpu.memory_space<hbm>>) target_semaphore(%run_scoped3A : memref<!tpu.dma_semaphore, #tpu.memory_space<semaphore_mem>>)
      %dma_wait3A = arith.constant 0 : i32
      %dma_wait3A_11 = tpu.memref_slice %arg3[%dma_wait3A, %mul3A_2] : memref<2x32768xi32, #tpu.memory_space<hbm>> -> memref<2x1024xi32, #tpu.memory_space<hbm>>
      %dma_wait3A_12 = arith.constant 0 : i32
      %dma_wait3A_13 = tpu.memref_slice %arg3[%dma_wait3A_12, %mul3A_2] : memref<2x32768xi32, #tpu.memory_space<hbm>> -> memref<2x1024xi32, #tpu.memory_space<hbm>>
      tpu.wait_dma2 semaphore(%run_scoped3A : memref<!tpu.dma_semaphore, #tpu.memory_space<semaphore_mem>>) src(%arg6 : memref<2x1024xi32, #tpu.memory_space<vmem>>) dst(%dma_wait3A_13 : memref<2x1024xi32, #tpu.memory_space<hbm>>)
      tpu.yield
    }) : () -> ()
    "tpu.region"() ({
      %run_scoped3A = tpu.sem_alloc : memref<!tpu.dma_semaphore, #tpu.memory_space<semaphore_mem>>
      %dma_start3A = arith.constant 0 : i32
      %dma_start3A_8 = tpu.memref_slice %arg4[%dma_start3A, %mul3A_2] : memref<2x32768xf32, #tpu.memory_space<hbm>> -> memref<2x1024xf32, #tpu.memory_space<hbm>>
      %dma_start3A_9 = arith.constant 0 : i32
      %dma_start3A_10 = tpu.memref_slice %arg4[%dma_start3A_9, %mul3A_2] : memref<2x32768xf32, #tpu.memory_space<hbm>> -> memref<2x1024xf32, #tpu.memory_space<hbm>>
      tpu.enqueue_dma source(%arg7 : memref<2x1024xf32, #tpu.memory_space<vmem>>) target(%dma_start3A_10 : memref<2x1024xf32, #tpu.memory_space<hbm>>) target_semaphore(%run_scoped3A : memref<!tpu.dma_semaphore, #tpu.memory_space<semaphore_mem>>)
      %dma_wait3A = arith.constant 0 : i32
      %dma_wait3A_11 = tpu.memref_slice %arg4[%dma_wait3A, %mul3A_2] : memref<2x32768xf32, #tpu.memory_space<hbm>> -> memref<2x1024xf32, #tpu.memory_space<hbm>>
      %dma_wait3A_12 = arith.constant 0 : i32
      %dma_wait3A_13 = tpu.memref_slice %arg4[%dma_wait3A_12, %mul3A_2] : memref<2x32768xf32, #tpu.memory_space<hbm>> -> memref<2x1024xf32, #tpu.memory_space<hbm>>
      tpu.wait_dma2 semaphore(%run_scoped3A : memref<!tpu.dma_semaphore, #tpu.memory_space<semaphore_mem>>) src(%arg7 : memref<2x1024xf32, #tpu.memory_space<vmem>>) dst(%dma_wait3A_13 : memref<2x1024xf32, #tpu.memory_space<hbm>>)
      tpu.yield
    }) : () -> ()
    return
  }
}

module attributes {stable_mosaic.version = 14 : i64} {
  func.func @_tc_gate_body(%arg0: i32, %arg1: memref<4096x768xf32, #tpu.memory_space<vmem>>, %arg2: memref<768x8xf32, #tpu.memory_space<vmem>>, %arg3: memref<8x1xf32, #tpu.memory_space<vmem>>, %arg4: memref<8x4096xf32, #tpu.memory_space<vmem>>) attributes {dimension_semantics = [#tpu.dimension_semantics<arbitrary>], iteration_bounds = array<i64: 8>, scalar_prefetch = 0 : i64, scratch_operands = 0 : i64, tpu.core_type = #tpu.core_type<tc>, window_params = [{transform_indices = @transform_0, window_bounds = array<i64: 4096, 768>}, {pipeline_mode = #tpu.pipeline_mode<synchronous>, transform_indices = @transform_1, window_bounds = array<i64: 768, 8>}, {pipeline_mode = #tpu.pipeline_mode<synchronous>, transform_indices = @transform_2, window_bounds = array<i64: 8, 1>}, {transform_indices = @transform_3, window_bounds = array<i64: 8, 4096>}]} {
    %get3A = arith.constant 0 : index
    %get3A_0 = arith.constant 0 : index
    %get3A_1 = vector.load %arg1[%get3A, %get3A_0] : memref<4096x768xf32, #tpu.memory_space<vmem>>, vector<4096x768xf32>
    %get3A_2 = arith.constant 0 : index
    %get3A_3 = arith.constant 0 : index
    %get3A_4 = vector.load %arg2[%get3A_2, %get3A_3] : memref<768x8xf32, #tpu.memory_space<vmem>>, vector<768x8xf32>
    %dot_general3A = arith.constant dense<0.000000e+00> : vector<4096x8xf32>
    %dot_general3A_5 = tpu.matmul %get3A_1, %get3A_4, %dot_general3A {dimension_numbers = #tpu.dot_dimension_numbers<[1], [0], [0], [1], [0, 0, 1, 1], [], []>, transpose_lhs_hint = false} : vector<4096x768xf32>, vector<768x8xf32>, vector<4096x8xf32> -> vector<4096x8xf32>
    %transpose3A = tpu.transpose %dot_general3A_5, [1, 0] : vector<4096x8xf32> -> vector<8x4096xf32>
    %get3A_6 = arith.constant 0 : index
    %get3A_7 = arith.constant 0 : index
    %get3A_8 = vector.load %arg3[%get3A_6, %get3A_7] : memref<8x1xf32, #tpu.memory_space<vmem>>, vector<8x1xf32>
    %add3A = vector.broadcast %get3A_8 : vector<8x1xf32> to vector<8x4096xf32>
    %add3A_9 = arith.addf %transpose3A, %add3A : vector<8x4096xf32>
    %swap3A = arith.constant 0 : index
    %swap3A_10 = arith.constant 0 : index
    %swap3A_11 = vector.load %arg4[%swap3A, %swap3A_10] : memref<8x4096xf32, #tpu.memory_space<vmem>>, vector<8x4096xf32>
    tpu.vector_store %arg4[%swap3A, %swap3A_10], %add3A_9 {strides = array<i32>} : memref<8x4096xf32, #tpu.memory_space<vmem>>, vector<8x4096xf32>,
    return
  }
  func.func @transform_0(%arg0: i32) -> (i32, i32) {
    %c0_i32 = arith.constant 0 : i32
    %c0_i32_0 = arith.constant 0 : i32
    return %arg0, %c0_i32 : i32, i32
  }
  func.func @transform_1(%arg0: i32) -> (i32, i32) {
    %c0_i32 = arith.constant 0 : i32
    %c0_i32_0 = arith.constant 0 : i32
    %c0_i32_1 = arith.constant 0 : i32
    return %c0_i32, %c0_i32_0 : i32, i32
  }
  func.func @transform_2(%arg0: i32) -> (i32, i32) {
    %c0_i32 = arith.constant 0 : i32
    %c0_i32_0 = arith.constant 0 : i32
    %c0_i32_1 = arith.constant 0 : i32
    return %c0_i32, %c0_i32_0 : i32, i32
  }
  func.func @transform_3(%arg0: i32) -> (i32, i32) {
    %c0_i32 = arith.constant 0 : i32
    %c0_i32_0 = arith.constant 0 : i32
    return %c0_i32, %arg0 : i32, i32
  }
}

</mosaic_0001>

<sc_bundles>
// kernel: kernel.4.cloned.1.call-start
scs
__scs_entry_jumppad:
0x0: {  	(pc) =	sbr.rel $0x88, $3  }
0x1: {  	(tag) =	ssettag $0x0;
	lr =	simm.s32 $0x1  }
0x2: {  	[smem:$0x3F9E] =	sst lr;
	_ =	strace $0xD0000000  }
0x3: {  	_ = 	snop  }
0x4: {  	_ = 	snop  }
0x5: {  	_ = 	snop  }
0x6: {  	_ = 	snop  }
0x7: {  	_ = 	snop  }
__scs_overlays_trampoline_lowered:
0x8: {  	[smem:$0x3FAD] =	sst s0  }
0x9: {  	[smem:$0x3FAE] =	sst s1  }
0xa: {  	[smem:$0x3FAF] =	sst s2  }
0xb: {  	[smem:$0x3FB0] =	sst s3  }
0xc: {  	[smem:$0x3FB1] =	sst s4  }
0xd: {  	[smem:$0x3FB2] =	sst s5  }
0xe: {  	[smem:$0x3FB3] =	sst s6  }
0xf: {  	[smem:$0x3FB4] =	sst s7  }
0x10: {  	[smem:$0x3FB5] =	sst s8  }
0x11: {  	[smem:$0x3FB6] =	sst s9;
	s0 =	simm.s32 @!p0 $0x0  }
0x12: {  	s1 =	sld [smem:$0x3F9C];
	s0 =	simm.s32 @p0 $0x1  }
0x13: {  	[smem:$0x3FB7] =	sst s0;
	s0 =	simm.s32 @!p1 $0x0  }
0x14: {  	s2 =	sld [smem:$0x3F9B];
	s0 =	simm.s32 @p1 $0x1  }
0x15: {  	[smem:$0x3FB8] =	sst s0;
	s0 =	simm.s32 @!p2 $0x0  }
0x16: {  	s3 =	sld [smem:$0x3FDB];
	s0 =	simm.s32 @p2 $0x1  }
0x17: {  	s4 =	simm.s32 $0x1BF5;
	[smem:$0x3FBA] =	sst s0  }
0x18: {  	s0 =	sld [smem:$0x3F9D];
	_ =	swait.ge [sflag:s4], $0x0  }
0x19: {  	s7 =	sld [smem:$0x3F9E]  }
0x1a: {  	s8 =	sadd.s32 $0xFFFFE003, lr  }
0x1b: {  	s9 =	sadd.s32 $0xFFFFFEF7, lr;
	s5 =	simm.s32 $0xFFFFFFFF;
	p2 =	slt.u32 s8, $0xFFFFF086  }
0x1c: {  	p1 =	slt.u32 s9, $0xF7A;
	s5 =	simm.s32 @!p2 $0x0  }
0x1d: {  	s5 =	simm.s32 @p1 $0x1;
	p0 =	seq.s32 s7, s2  }
0x1e: {  	s7 =	smul.u32 @!p0 $0xF7A, s2;
	p2 =	seq.s32 @!p0 s5, $0x0  }
0x1f: {  	s9 =	smul.u32 $0xF7A, s1;
	s8 =	simm.s32 @!p0 $0x1BF5;
	p2 =	por !p2, p0  }
0x20: {  	[sflag:s8] =	ssyncset.s32 @!p0 $0xFFFFF086;
	s6 =	sadd.s32 @!p0 s3, s7;
	s7 =	simm.s32 @!p0 $0x108  }
0x21: {  	s3 =	sadd.s32 s3, s9;
	s6 =	sadd.s32 @!p0 $0x88, s6;
	s7 =	simm.s32 @p2 $0x1082  }
0x22: {  	[simem:s7], [sflag:s8] =	dma.local @!p0 [hbm:s6], $0xF7A  }
0x23: {  	s9 =	sor.u32 $0xD0000000, s2;
	s6 =	simm.s32 $0x108;
	_ =	swait.ge @!p0 [sflag:s8], $0x0  }
0x24: {  	s3 =	sadd.s32 $0x88, s3;
	s6 =	simm.s32 @!p1 $0x1082;
	[sflag:s4] =	ssyncset.s32 $0xFFFFF086  }
0x25: {  	[simem:s6], [sflag:s4] =	dma.local [hbm:s3], $0xF7A  }
0x26: {  	[smem:$0x3F9E] =	sst s1;
	(tag) =	ssettag s2;
	_ =	strace s9  }
0x27: {  	s1 =	sld [smem:$0x3FAE]  }
0x28: {  	s2 =	sld [smem:$0x3FAF]  }
0x29: {  	s4 =	sld [smem:$0x3FB1]  }
0x2a: {  	p0 =	seq.s32 s5, $0x0;
	s5 =	sld [smem:$0x3FB2]  }
0x2b: {  	s6 =	sld [smem:$0x3FB3]  }
0x2c: {  	s7 =	sld [smem:$0x3FB4]  }
0x2d: {  	s3 =	simm.s32 $0x108;
	s8 =	sld [smem:$0x3FB5]  }
0x2e: {  	s3 =	simm.s32 @!p0 $0x1082;
	s9 =	sld [smem:$0x3FB6]  }
0x2f: {  	lr =	sadd.s32 s0, s3;
	s0 =	sld [smem:$0x3FAD]  }
0x30: {  	s3 =	sld [smem:$0x3FB0]  }
0x31: {  	[smem:$0x3FB9] =	sst s10  }
0x32: {  	s10 =	sld [smem:$0x3FB7];
	_ =	sdelay $0x3  }
0x33: {  	p0 =	seq.s32 s10, $0x1;
	s10 =	sld [smem:$0x3FB9];
	_ =	sdelay $0x3  }
0x34: {  	[smem:$0x3FB9] =	sst s10  }
0x35: {  	s10 =	sld [smem:$0x3FB8];
	_ =	sdelay $0x3  }
0x36: {  	p1 =	seq.s32 s10, $0x1;
	s10 =	sld [smem:$0x3FB9];
	_ =	sdelay $0x3  }
0x37: {  	[smem:$0x3FB9] =	sst s10  }
0x38: {  	s10 =	sld [smem:$0x3FBA]  }
0x39: {  	_ = 	snop;
	(pc) =	sbr.ind lr, $3  }
0x3a: {  	_ = 	snop  }
0x3b: {  	_ = 	snop  }
0x3c: {  	p2 =	seq.s32 s10, $0x1;
	s10 =	sld [smem:$0x3FB9]  }
0x3d: {  	_ =	shalt  }
0x3e: {  	_ =	shalt  }
0x3f: {  	_ =	shalt  }
0x40: {  	_ =	shalt  }
0x41: {  	_ =	shalt  }
0x42: {  	_ =	shalt  }
0x43: {  	_ =	shalt  }
0x44: {  	_ =	shalt  }
0x45: {  	_ =	shalt  }
0x46: {  	_ =	shalt  }
0x47: {  	_ =	shalt  }
0x48: {  	_ =	shalt  }
0x49: {  	_ =	shalt  }
0x4a: {  	_ =	shalt  }
0x4b: {  	_ =	shalt  }
0x4c: {  	_ =	shalt  }
0x4d: {  	_ =	shalt  }
0x4e: {  	_ =	shalt  }
0x4f: {  	_ =	shalt  }
0x50: {  	_ =	shalt  }
0x51: {  	_ =	shalt  }
0x52: {  	_ =	shalt  }
0x53: {  	_ =	shalt  }
0x54: {  	_ =	shalt  }
0x55: {  	_ =	shalt  }
0x56: {  	_ =	shalt  }
0x57: {  	_ =	shalt  }
0x58: {  	_ =	shalt  }
0x59: {  	_ =	shalt  }
0x5a: {  	_ =	shalt  }
0x5b: {  	_ =	shalt  }
0x5c: {  	_ =	shalt  }
0x5d: {  	_ =	shalt  }
0x5e: {  	_ =	shalt  }
0x5f: {  	_ =	shalt  }
0x60: {  	_ =	shalt  }
0x61: {  	_ =	shalt  }
0x62: {  	_ =	shalt  }
0x63: {  	_ =	shalt  }
0x64: {  	_ =	shalt  }
0x65: {  	_ =	shalt  }
0x66: {  	_ =	shalt  }
0x67: {  	_ =	shalt  }
0x68: {  	_ =	shalt  }
0x69: {  	_ =	shalt  }
0x6a: {  	_ =	shalt  }
0x6b: {  	_ =	shalt  }
0x6c: {  	_ =	shalt  }
0x6d: {  	_ =	shalt  }
0x6e: {  	_ =	shalt  }
0x6f: {  	_ =	shalt  }
0x70: {  	_ =	shalt  }
0x71: {  	_ =	shalt  }
0x72: {  	_ =	shalt  }
0x73: {  	_ =	shalt  }
0x74: {  	_ =	shalt  }
0x75: {  	_ =	shalt  }
0x76: {  	_ =	shalt  }
0x77: {  	_ =	shalt  }
0x78: {  	_ =	shalt  }
0x79: {  	_ =	shalt  }
0x7a: {  	_ =	shalt  }
0x7b: {  	_ =	shalt  }
0x7c: {  	_ =	shalt  }
0x7d: {  	_ =	shalt  }
0x7e: {  	_ =	shalt  }
0x7f: {  	_ =	shalt  }
0x80: {  	_ =	shalt  }
0x81: {  	_ =	shalt  }
0x82: {  	_ =	shalt  }
0x83: {  	_ =	shalt  }
0x84: {  	_ =	shalt  }
0x85: {  	_ =	shalt  }
0x86: {  	_ =	shalt  }
0x87: {  	_ =	shalt  }
.Lfunc_end0:
.L_simem_size_0:
called_computation_lowered:
.L_overlay_start_0:
0x88: {  	s2 =	sld [smem:$0x3FD9]  }
0x89: {  	s3 =	sld [smem:$0x3FFE];
	_ =	sdelay $0x1  }
0x8a: {  	s1 =	srdreg.scid  }
0x8b: {  	s0 =	sand.u32 $0x1, s1  }
0x8c: {  	s14 =	sshll.u32 s0, $0xA;
	s2 =	sadd.s32 s3, s2  }
0x8d: {  	s2 =	sadd.s32 s2, s14  }
0x8e: {  	[smem:$0x3FC5] =	sst s2  }
0x8f: {  	_ = 	snop  }
0x90: {  	s2 =	sld [smem:$0x3FD0];
	_ =	sdelay $0x2  }
0x91: {  	s15 =	simm.s32 $0xA;
	s4 =	simm.s32 $0x10  }
0x92: {  	[smem:s4], [sflag:s15] =	dma.local [hbm:s2], $0x1  }
0x93: {  	_ =	swait.eq [sflag:s15], $0x1  }
0x94: {  	[sflag:s15] =	ssyncset.done $0x0  }
0x95: {  	s16 =	sld [smem:$0x10];
	[sflag:s15] =	ssyncadd.s32 $0xFFFFFFFF  }
0x96: {  	s17 =	sld [smem:$0x11];
	(tm) =	ssettm $0x1  }
0x97: {  	s18 =	sld [smem:$0x3FFB];
	_ =	sdelay $0x3  }
0x98: {  	_ =	strace s18  }
0x99: {  	s4 =	sld [smem:$0x3FFC];
	_ =	sdelay $0x3  }
0x9a: {  	_ =	strace s4  }
0x9b: {  	s4 =	sld [smem:$0x3FFD];
	_ =	sdelay $0x3  }
0x9c: {  	_ =	strace s4  }
0x9d: {  	_ =	strace $0x8FFFFFFF  }
0x9e: {  	s19 =	sld [smem:$0x3FDB];
	_ =	sdelay $0x1  }
0x9f: {  	s5 =	simm.s32 $_scs_section_size  }
0xa0: {  	s6 =	simm.s32 $_size__tile_overlayer_lowered;
	s7 =	simm.s32 $_tile_overlayer_lowered  }
0xa1: {  	s22 =	simm.s32 $0x1BFF;
	s21 =	sshll.u32 s7, $0x1;
	s4 =	sadd.s32 s5, s19  }
0xa2: {  	s8 =	simm.s32 $0x0;
	s20 =	sshll.u32 s6, $0x1;
	s6 =	sadd.s32 s21, s4  }
0xa3: {  	[timem:s8], [sflag:s22] =	dma.local [hbm:s6], s20  }
0xa4: {  	_ =	swait.ge [sflag:s22], s20  }
0xa5: {  	s5 =	ssub.s32 $0x0, s20;
	[sflag:s22] =	ssyncset.done $0x0  }
0xa6: {  	[sflag:s22] =	ssyncadd.s32 s5;
	_ =	sdelay $0x1  }
0xa7: {  	s23 =	simm.s32 $0x1B8B  }
0xa8: {  	_ =	swait.ge [sflag:s23], $0x1  }
0xa9: {  	[sflag:s23] =	ssyncset.done $0x0  }
0xaa: {  	s25 =	simm.s32 $0x1B8E;
	s24 =	sld [smem:$0x3FFE];
	[sflag:s23] =	ssyncadd.s32 $0xFFFFFFFF  }
0xab: {  	s26 =	simm.s32 $execute0_lowered;
	[smem:$0x3FD2] =	sst s25  }
0xac: {  	s6 =	sshll.u32 s26, $0x1;
	_ =	strace $0x80000046;
	[dreg:$0x1] =	wrdreg $0xFFFFFFFF  }
0xad: {  	s28 =	simm.s32 $_size_execute0_lowered;
	s4 =	sadd.s32 s4, s6;
	[dreg:$0x0] =	wrdreg $0x0  }
0xae: {  	s6 =	sshll.u32 s28, $0x1;
	[dreg:$0x2] =	wrdreg s4  }
0xaf: {  	[dreg:$0x3] =	wrdreg s6  }
0xb0: {  	[dreg:$0x4] =	wrdreg $0xC0  }
0xb1: {  	_ =	task [dreg:s8], $0x5FFFF  }
0xb2: {  	[dreg:$0x1] =	wrdreg $0xFFFFFFFF  }
0xb3: {  	[dreg:$0x0] =	wrdreg $0x60  }
0xb4: {  	[dreg:$0x2] =	wrdreg s24  }
0xb5: {  	[dreg:$0x3] =	wrdreg s16  }
0xb6: {  	[dreg:$0x4] =	wrdreg s17  }
0xb7: {  	[dreg:$0x5] =	wrdreg $0x9  }
0xb8: {  	_ =	task.clear_ibuf [dreg:s8], $0x6FFFF;
	_ =	strace $0x90000046  }
0xb9: {  	s29 =	simm.s32 $0x9;
	_ =	strace $0x80000048  }
0xba: {  	_ =	swait.ge [sflag:s29], $0x1  }
0xbb: {  	[sflag:s29] =	ssyncadd.s32 $0xFFFFFFFF  }
0xbc: {  	_ =	strace $0x90000048  }
0xbd: {  	_ =	sfence  }
0xbe: {  	s30 =	sld [smem:$0x0];
	_ =	sdelay $0x2  }
0xbf: {  	s31 =	sshll.u32 s1, $0xD;
	s1 =	sshrl.u32 s1, $0x2  }
0xc0: {  	s3 =	sand.u32 $0x4000, s31;
	s1 =	sadd.s32 s1, s30  }
0xc1: {  	s0 =	sor.u32 s3, s0;
	s1 =	sshll.u32 s1, $0x11  }
0xc2: {  	s0 =	sor.u32 s1, s0  }
0xc3: {  	s0 =	sadd.s32 $0x8F2B, s0  }
0xc4: {  	[sflag:s0] =	ssyncadd.remote.s32 $0x1  }
0xc5: {  	_ =	sfence.sel $0xFFFF  }
0xc6: {  	[dreg:$0x0] =	wrdreg $0xFFFFFFFF;
	(pc) =	sbr.abs _section_cstart, $3  }
0xc7: {  	[dreg:$0x1] =	wrdreg $0xFFFFFFFF  }
0xc8: {  	_ =	task.clear_ibuf [dreg:s8], $0x2FFFF;
	_ =	strace $0x9FFFFFFF  }
0xc9: {  	(tm) =	ssettm $0x7FFFFFFF  }
tec
execute0_lowered:
.L_overlay_start_1:
0x0: {  	(tag) =	ssettag $0x1  }
0x1: {  	s3 =	rddreg [dreg:$0x0]  }
0x2: {  	s4 =	rddreg [dreg:$0x1]  }
0x3: {  	s5 =	rddreg [dreg:$0x2]  }
0x4: {  	s0 =	rddreg [dreg:$0x3];
	s6 =	srdreg.scid  }
0x5: {  	s2 =	simm.s32 $0x0;
	s1 =	stileid.u32;
	s9 =	simm.s32 $0x2800  }
0x6: {  	s10 =	simm.s32 $0x0;
	s6 =	sand.u32 $0x1, s6;
	[smem:$0x7FF] =	sst s2  }
0x7: {  	s7 =	sshll.u32 s1, $0xB;
	s8 =	sshll.u32 s6, $0xA;
	s6 =	ssub.s32 $0x2, s6  }
0x8: {  	_ =	strace $0x80000047;
	s7 =	sor.u32 s8, s7;
	s31 =	sshrl.u32 s6, $0x1  }
0x9: {  	s8 =	simm.s32 $0x2000;
	s3 =	sadd.s32 s7, s3;
	s7 =	sshrl.u32 s7, $0x2  }
0xa: {  	s6 =	ssub.s32 s6, s31;
	s3 =	sadd.s32 $0xA00, s3;
	s4 =	sadd.s32 s4, s7  }
0xb: {  	v0 =	vimm.s32 $0x0;
	s5 =	sadd.s32 s5, s7;
	s6 =	smax.u32 s6, $0x1;
	s7 =	simm.s32 $0x1  }
.LBB2_1:
0xc: {  	[tilespmem:s2], [sflag:$0x1] =	stream.linear.gather [hbm4b:s3+s2], $0x2000, $0x38;
	[tilespmem:$0x3000] =	vst v63  }
0xd: {  	s12 =	simm.s32 $0x0;
	_ =	swait.ge [sflag:s7], $0x2000  }
0xe: {  	s11 =	sand.u32 $0x70, s2;
	s12 =	sand.u32 $0x3FFFFC00, s12;
	[sflag:s7] =	ssyncset.done $0x0  }
0xf: {  	s12 =	sor.u32 s11, s12;
	[sflag:s7] =	ssyncadd.s32 $0xFFFFE000  }
0x10: {  	v1 =	vld [tilespmem:s12+$0x80]  }
0x11: {  	v2 =	vld [tilespmem:s12+$0x0];
	_ =	sdelay $0x2  }
0x12: {  	v3 =	vld [tilespmem:s12+$0x100]  }
0x13: {  	vm1 =	vlt.f32 v1, $-Inf;
	vm2 =	vgt.f32 v1, $-Inf  }
0x14: {  	vm0 =	vgt.f32 v1, v2;
	vm1 =	vmor vm2, vm1  }
0x15: {  	v5 =	vld [tilespmem:s12+$0x180];
	vm2 =	vmneg vm0;
	v4 =	vnsel vm1, $0xFF800000, v1  }
0x16: {  	v4 =	vsel vm2, v4, v2  }
0x17: {  	v1 =	vsel vm2, v2, v1;
	vm4 =	vgt.f32 v3, v4  }
0x18: {  	v60 =	vld [tilespmem:s12+$0x200];
	vm3 =	vgt.f32 v3, v1;
	v2 =	vsel vm4, v3, v4  }
0x19: {  	v2 =	vsel vm3, v1, v2  }
0x1a: {  	v1 =	vsel vm3, v3, v1;
	vm6 =	vgt.f32 v5, v2  }
0x1b: {  	v3 =	vld [tilespmem:s12+$0x280];
	vm5 =	vgt.f32 v5, v1;
	v2 =	vsel vm6, v5, v2  }
0x1c: {  	v2 =	vsel vm5, v1, v2  }
0x1d: {  	v1 =	vsel vm5, v5, v1;
	vm8 =	vgt.f32 v60, v2  }
0x1e: {  	v61 =	vld [tilespmem:s12+$0x300];
	vm7 =	vgt.f32 v60, v1;
	v2 =	vsel vm8, v60, v2  }
0x1f: {  	v2 =	vsel vm7, v1, v2  }
0x20: {  	v1 =	vsel vm7, v60, v1;
	vm10 =	vgt.f32 v3, v2  }
0x21: {  	v62 =	vld [tilespmem:s12+$0x380];
	vm9 =	vgt.f32 v3, v1;
	v2 =	vsel vm10, v3, v2  }
0x22: {  	v2 =	vsel vm9, v1, v2  }
0x23: {  	v1 =	vsel vm9, v3, v1;
	vm13 =	vgt.f32 v61, v2  }
0x24: {  	vm11 =	vgt.f32 v61, v1;
	v2 =	vsel vm13, v61, v2  }
0x25: {  	v2 =	vsel vm11, v1, v2  }
0x26: {  	v1 =	vsel vm11, v61, v1;
	vm14 =	vgt.f32 v62, v2  }
0x27: {  	vm12 =	vgt.f32 v62, v1;
	v2 =	vsel vm14, v62, v2  }
0x28: {  	v2 =	vsel vm12, v1, v2;
	v1 =	vsel vm12, v62, v1  }
0x29: {  	v1 =	vsub.f32 v2, v1;
	_ =	sdelay $0x1  }
0x2a: {  	v1 =	vmul.f32 $1.442695020e+00, v1;
	_ =	sdelay $0x1  }
0x2b: {  	(erf) = vpow2.f32 v1;
	_ =	sdelay $0x4  }
0x2c: {  	vm1 =	vmand vm2, vm1  }
0x2d: {  	v1 =	vsel vm1, $0x1, v0  }
0x2e: {  	v2 =	vsel vm0, $0x1, v0;
	v1 =	vsel vm4, $0x2, v1  }
0x2f: {  	v1 =	vsel vm3, v2, v1  }
0x30: {  	v2 =	vsel vm3, $0x2, v2;
	v1 =	vsel vm6, $0x3, v1;
	v3 =	vpop (erf)  }
0x31: {  	v1 =	vsel vm5, v2, v1;
	v63 =	vadd.f32 $1.000000000e+00, v3  }
0x32: {  	v2 =	vsel vm5, $0x3, v2;
	v1 =	vsel vm8, $0x4, v1  }
0x33: {  	v1 =	vsel vm7, v2, v1;
	(erf) = vrcp.f32 v63  }
0x34: {  	v2 =	vsel vm7, $0x4, v2;
	v1 =	vsel vm10, $0x5, v1  }
0x35: {  	v1 =	vsel vm9, v2, v1  }
0x36: {  	v2 =	vsel vm9, $0x5, v2;
	v1 =	vsel vm13, $0x6, v1  }
0x37: {  	v1 =	vsel vm11, v2, v1  }
0x38: {  	s31 =	simm.s32 $0x0;
	v2 =	vsel vm11, $0x6, v2;
	v1 =	vsel vm14, $0x7, v1  }
0x39: {  	s12 =	sand.u32 $0xFFFFFF00, s31;
	v1 =	vsel vm12, v2, v1  }
0x3a: {  	s15 =	sor.u32 s11, s12  }
0x3b: {  	v2 =	vsel vm12, $0x7, v2;
	[tilespmem:s15+$0x2080] =	vst v1  }
0x3c: {  	s16 =	simm.s32 $0x80;
	s13 =	simm.s32 $0x10;
	s14 =	simm.s32 $0x2;
	[tilespmem:s15+$0x2000] =	vst v2;
	v1 =	vpop (erf)  }
0x3d: {  	s16 =	sand.u32 $0x3FFFFC00, s16;
	s11 =	simm.s32 $0x1;
	s12 =	sand.u32 $0x70, s13;
	[tilespmem:s15+$0x2800] =	vst v1;
	v1 =	vmul.f32 v1, v3  }
.LBB2_2:
0x3e: {  	p0 =	sne.s32 s14, $0x3F  }
0x3f: {  	s16 =	sor.u32 s12, s16;
	[tilespmem:s15+$0x2880] =	vst v1;
	s15 =	smov.u32 s14;
	s14 =	sadd.s32 $0x1, s14  }
0x40: {  	v1 =	vld [tilespmem:s16+$0x80]  }
0x41: {  	v2 =	vld [tilespmem:s16+$0x0];
	_ =	sdelay $0x2  }
0x42: {  	v3 =	vld [tilespmem:s16+$0x100]  }
0x43: {  	vm0 =	vlt.f32 v1, $-Inf;
	vm1 =	vgt.f32 v1, $-Inf  }
0x44: {  	vm2 =	vgt.f32 v1, v2;
	vm0 =	vmor vm1, vm0  }
0x45: {  	vm1 =	vmneg vm2;
	v4 =	vnsel vm0, $0xFF800000, v1;
	v5 =	vld [tilespmem:s16+$0x180]  }
0x46: {  	vm0 =	vmand vm1, vm0;
	v4 =	vsel vm1, v4, v2;
	v1 =	vsel vm1, v2, v1  }
0x47: {  	v6 =	vsel vm2, $0x1, v0;
	v2 =	vsel vm0, $0x1, v0;
	vm0 =	vgt.f32 v3, v4  }
0x48: {  	vm1 =	vgt.f32 v3, v1;
	v2 =	vsel vm0, $0x2, v2;
	v4 =	vsel vm0, v3, v4;
	v7 =	vld [tilespmem:s16+$0x200]  }
0x49: {  	v2 =	vsel vm1, v6, v2;
	v4 =	vsel vm1, v1, v4;
	v1 =	vsel vm1, v3, v1  }
0x4a: {  	v3 =	vsel vm1, $0x2, v6;
	vm0 =	vgt.f32 v5, v4  }
0x4b: {  	vm1 =	vgt.f32 v5, v1;
	v2 =	vsel vm0, $0x3, v2;
	v4 =	vsel vm0, v5, v4;
	v6 =	vld [tilespmem:s16+$0x280]  }
0x4c: {  	v2 =	vsel vm1, v3, v2;
	v4 =	vsel vm1, v1, v4;
	v1 =	vsel vm1, v5, v1  }
0x4d: {  	v3 =	vsel vm1, $0x3, v3;
	vm0 =	vgt.f32 v7, v4  }
0x4e: {  	vm1 =	vgt.f32 v7, v1;
	v4 =	vsel vm0, v7, v4;
	v5 =	vld [tilespmem:s16+$0x300]  }
0x4f: {  	v2 =	vsel vm0, $0x4, v2;
	v8 =	vsel vm1, $0x4, v3;
	v4 =	vsel vm1, v1, v4  }
0x50: {  	v2 =	vsel vm1, v3, v2;
	v1 =	vsel vm1, v7, v1;
	vm0 =	vgt.f32 v6, v4  }
0x51: {  	vm1 =	vgt.f32 v6, v1;
	v2 =	vsel vm0, $0x5, v2;
	v3 =	vsel vm0, v6, v4;
	v4 =	vld [tilespmem:s16+$0x380]  }
0x52: {  	v7 =	vsel vm1, $0x5, v8;
	v2 =	vsel vm1, v8, v2;
	v3 =	vsel vm1, v1, v3  }
0x53: {  	v1 =	vsel vm1, v6, v1;
	vm0 =	vgt.f32 v5, v3  }
0x54: {  	vm1 =	vgt.f32 v5, v1;
	v2 =	vsel vm0, $0x6, v2;
	v3 =	vsel vm0, v5, v3  }
0x55: {  	v2 =	vsel vm1, v7, v2;
	v3 =	vsel vm1, v1, v3;
	v1 =	vsel vm1, v5, v1  }
0x56: {  	s16 =	sshll.u32 s11, $0x5;
	s11 =	smov.u32 s15;
	v5 =	vsel vm1, $0x6, v7;
	vm0 =	vgt.f32 v4, v3  }
0x57: {  	s15 =	sand.u32 $0xFFFFFF00, s16;
	vm1 =	vgt.f32 v4, v1;
	v2 =	vsel vm0, $0x7, v2;
	v3 =	vsel vm0, v4, v3  }
0x58: {  	s15 =	sor.u32 s12, s15;
	v2 =	vsel vm1, v5, v2;
	v3 =	vsel vm1, v1, v3;
	v1 =	vsel vm1, v4, v1  }
0x59: {  	v4 =	vsel vm1, $0x7, v5;
	v1 =	vsub.f32 v3, v1;
	[tilespmem:s15+$0x2080] =	vst v2  }
0x5a: {  	[tilespmem:s15+$0x2000] =	vst v4  }
0x5b: {  	v1 =	vmul.f32 $1.442695020e+00, v1;
	_ =	sdelay $0x1  }
0x5c: {  	(erf) = vpow2.f32 v1;
	_ =	sdelay $0x8  }
0x5d: {  	v1 =	vpop (erf)  }
0x5e: {  	v2 =	vadd.f32 $1.000000000e+00, v1;
	_ =	sdelay $0x1  }
0x5f: {  	(erf) = vrcp.f32 v2;
	_ =	sdelay $0x6  }
.Ltmp0:
0x60: {  	(pc) =	sbr.rel @p0 .LBB2_2-.Ltmp0, $4  }
0x61: {  	_ = 	snop  }
0x62: {  	v2 =	vpop (erf)  }
0x63: {  	s13 =	sadd.s32 $0x10, s13;
	s16 =	sshll.u32 s11, $0x7;
	[tilespmem:s15+$0x2800] =	vst v2;
	v1 =	vmul.f32 v2, v1  }
0x64: {  	s12 =	sand.u32 $0x70, s13;
	s16 =	sand.u32 $0x3FFFFC00, s16  }
0x65: {  	s13 =	sor.u32 s12, s16;
	[tilespmem:s15+$0x2880] =	vst v1  }
0x66: {  	v1 =	vld [tilespmem:s13+$0x80]  }
0x67: {  	v2 =	vld [tilespmem:s13+$0x0];
	_ =	sdelay $0x2  }
0x68: {  	v3 =	vld [tilespmem:s13+$0x100]  }
0x69: {  	vm1 =	vlt.f32 v1, $-Inf;
	vm2 =	vgt.f32 v1, $-Inf  }
0x6a: {  	vm0 =	vgt.f32 v1, v2;
	vm1 =	vmor vm2, vm1  }
0x6b: {  	v5 =	vld [tilespmem:s13+$0x180];
	vm3 =	vmneg vm0;
	v4 =	vnsel vm1, $0xFF800000, v1  }
0x6c: {  	v4 =	vsel vm3, v4, v2  }
0x6d: {  	v1 =	vsel vm3, v2, v1;
	vm5 =	vgt.f32 v3, v4  }
0x6e: {  	v60 =	vld [tilespmem:s13+$0x200];
	vm2 =	vgt.f32 v3, v1;
	v2 =	vsel vm5, v3, v4  }
0x6f: {  	v2 =	vsel vm2, v1, v2  }
0x70: {  	v1 =	vsel vm2, v3, v1;
	vm6 =	vgt.f32 v5, v2  }
0x71: {  	v3 =	vld [tilespmem:s13+$0x280];
	vm4 =	vgt.f32 v5, v1;
	v2 =	vsel vm6, v5, v2  }
0x72: {  	v2 =	vsel vm4, v1, v2  }
0x73: {  	v1 =	vsel vm4, v5, v1;
	vm8 =	vgt.f32 v60, v2  }
0x74: {  	v61 =	vld [tilespmem:s13+$0x300];
	vm7 =	vgt.f32 v60, v1;
	v2 =	vsel vm8, v60, v2  }
0x75: {  	v2 =	vsel vm7, v1, v2  }
0x76: {  	v1 =	vsel vm7, v60, v1;
	vm10 =	vgt.f32 v3, v2  }
0x77: {  	v62 =	vld [tilespmem:s13+$0x380];
	vm9 =	vgt.f32 v3, v1;
	v2 =	vsel vm10, v3, v2  }
0x78: {  	v2 =	vsel vm9, v1, v2  }
0x79: {  	v1 =	vsel vm9, v3, v1;
	vm13 =	vgt.f32 v61, v2  }
0x7a: {  	vm11 =	vgt.f32 v61, v1;
	v2 =	vsel vm13, v61, v2  }
0x7b: {  	v2 =	vsel vm11, v1, v2  }
0x7c: {  	v1 =	vsel vm11, v61, v1;
	vm14 =	vgt.f32 v62, v2  }
0x7d: {  	vm12 =	vgt.f32 v62, v1;
	v2 =	vsel vm14, v62, v2  }
0x7e: {  	v2 =	vsel vm12, v1, v2;
	v1 =	vsel vm12, v62, v1  }
0x7f: {  	v1 =	vsub.f32 v2, v1;
	_ =	sdelay $0x1  }
0x80: {  	v1 =	vmul.f32 $1.442695020e+00, v1;
	_ =	sdelay $0x1  }
0x81: {  	(erf) = vpow2.f32 v1;
	_ =	sdelay $0x4  }
0x82: {  	vm1 =	vmand vm3, vm1  }
0x83: {  	v1 =	vsel vm1, $0x1, v0  }
0x84: {  	v2 =	vsel vm0, $0x1, v0;
	v1 =	vsel vm5, $0x2, v1  }
0x85: {  	v1 =	vsel vm2, v2, v1  }
0x86: {  	v2 =	vsel vm2, $0x2, v2;
	v1 =	vsel vm6, $0x3, v1;
	v3 =	vpop (erf)  }
0x87: {  	v1 =	vsel vm4, v2, v1;
	v63 =	vadd.f32 $1.000000000e+00, v3  }
0x88: {  	v2 =	vsel vm4, $0x3, v2;
	v1 =	vsel vm8, $0x4, v1  }
0x89: {  	v1 =	vsel vm7, v2, v1;
	(erf) = vrcp.f32 v63  }
0x8a: {  	v2 =	vsel vm7, $0x4, v2;
	v1 =	vsel vm10, $0x5, v1  }
0x8b: {  	v1 =	vsel vm9, v2, v1  }
0x8c: {  	v2 =	vsel vm9, $0x5, v2;
	v1 =	vsel vm13, $0x6, v1  }
0x8d: {  	v1 =	vsel vm11, v2, v1  }
0x8e: {  	v2 =	vsel vm11, $0x6, v2;
	v1 =	vsel vm14, $0x7, v1  }
0x8f: {  	s11 =	sshll.u32 s11, $0x5;
	v1 =	vsel vm12, v2, v1  }
0x90: {  	s11 =	sand.u32 $0xFFFFFF00, s11  }
0x91: {  	s11 =	sor.u32 s12, s11  }
0x92: {  	v2 =	vsel vm12, $0x7, v2;
	[tilespmem:s11+$0x2080] =	vst v1;
	v1 =	vpop (erf)  }
0x93: {  	[tilespmem:s11+$0x2000] =	vst v2;
	v2 =	vmul.f32 v1, v3  }
0x94: {  	[tilespmem:s11+$0x2800] =	vst v1  }
0x95: {  	[tilespmem:s11+$0x2880] =	vst v2  }
0x96: {  	[hbm4b:s4+s2] =	stream.linear.scatter [tilespmem:s8], [sflag:$0x1], $0x800, $0x38;
	[tilespmem:$0x3000] =	vst v63  }
0x97: {  	s10 =	sadd.s32 $0x1, s10;
	_ =	swait.ge [sflag:s7], $0x800  }
0x98: {  	p0 =	sne.s32 s10, s6;
	[sflag:s7] =	ssyncset.done $0x0  }
.Ltmp1:
0x99: {  	[sflag:s7] =	ssyncadd.s32 $0xFFFFF800;
	(pc) =	sbr.rel @p0 .LBB2_1-.Ltmp1, $4  }
0x9a: {  	[hbm4b:s5+s2] =	stream.linear.scatter [tilespmem:s9], [sflag:$0x1], $0x800, $0x38;
	[tilespmem:$0x3000] =	vst v63  }
0x9b: {  	_ =	swait.ge [sflag:s7], $0x800  }
0x9c: {  	[sflag:s7] =	ssyncset.done $0x0  }
0x9d: {  	[sflag:s7] =	ssyncadd.s32 $0xFFFFF800  }
0x9e: {  	_ =	sfence.sel $0x180000  }
0x9f: {  	[bflag:$0x0] =	sbarrier.arrive $0xFFFF  }
0xa0: {  	p0 =	sne.s32 s1, $0x0;
	_ =	strace $0x90000047  }
0xa1: {  	s0 =	sadd.s32 @!p0 $0x100000, s0;
	[bflag:$0x2] =	sbarrier.arrive $0xFFFF  }
0xa2: {  	[sflag:s0] =	ssyncadd.tile.s32 @!p0 $0x1;
	_ =	shalt  }
.Lfunc_end2:
_tile_overlayer_lowered:
.L_overlay_start_2:
0xa3: {  	(tag) =	ssettag $0x2  }
0xa4: {  	s0 =	rddreg [dreg:$0x0];
	s2 =	stileid.u32  }
0xa5: {  	s1 =	rddreg [dreg:$0x1];
	p0 =	sne.s32 s2, $0x0  }
0xa6: {  	s3 =	rddreg [dreg:$0x2];
	[bflag:$0x3] =	sbarrier.arrive $0xFFFF;
	s2 =	simm.s32 @!p0 $0x1C01  }
0xa7: {  	[timem:s3], [sflag:s2] =	dma.local @!p0 [hbm:s0], s1  }
0xa8: {  	s0 =	simm.s32 @!p0 $0x1  }
0xa9: {  	_ =	swait.ge @!p0 [sflag:s0], s1  }
0xaa: {  	s1 =	ssub.s32 @!p0 $0x0, s1;
	[sflag:s0] =	ssyncset.done @!p0 $0x0  }
0xab: {  	[sflag:s0] =	ssyncadd.s32 @!p0 s1  }
0xac: {  	[bflag:$0x3] =	sbarrier.arrive $0xFFFF  }
0xad: {  	_ =	shalt  }

</sc_bundles>
